<compile_context>
chip_gen: v7x
topology: tpu7x:2x2x1
jax: 0.10.2.dev20260603
libtpu: 0.0.44.dev20260713+nightly
codegen_flags: <defaults>
</compile_context>

<pallas_src>
import functools

import jax
import jax.numpy as jnp
from jax import lax
from jax.experimental import pallas as pl
from jax.experimental.pallas import tpu as pltpu
from jax.experimental.pallas import tpu_sc as plsc

NUM_CORES = 2
NUM_SUBCORES = 16
NUM_WORKERS = NUM_CORES * NUM_SUBCORES

EMB_DIM = 64
CHUNK = 512
TR_BK = 8192


def _emb_body(idx_hbm, table_hbm, out_hbm, idx_v, rows_v, g0, g1, o0, o1,
              *, per_w, n_chunks):
    wid = lax.axis_index("s") * NUM_CORES + lax.axis_index("c")
    base = wid * per_w
    gsem = (g0, g1)
    osem = (o0, o1)

    def stage_idx(slot, g):
        pltpu.sync_copy(idx_hbm.at[pl.ds(base + g * CHUNK, CHUNK)],
                        idx_v.at[slot])

    def fire_gather(slot):
        pltpu.async_copy(table_hbm.at[idx_v.at[slot]], rows_v.at[slot],
                         gsem[slot])

    def wait_gather(slot):
        pltpu.make_async_copy(table_hbm.at[idx_v.at[slot]], rows_v.at[slot],
                              gsem[slot]).wait()

    def fire_out(slot, g):
        pltpu.async_copy(rows_v.at[slot],
                         out_hbm.at[pl.ds(base + g * CHUNK, CHUNK)],
                         osem[slot])

    def wait_out(slot):
        pltpu.make_async_copy(rows_v.at[slot],
                              out_hbm.at[pl.ds(base, CHUNK)],
                              osem[slot]).wait()

    stage_idx(0, 0)
    fire_gather(0)

    @pl.loop(0, n_chunks, step=2)
    def _(p):
        for b in range(2):
            g = p + b
            slot = b
            nslot = 1 - b

            @pl.when(g + 1 < n_chunks)
            def _():
                stage_idx(nslot, g + 1)

                @pl.when(g >= 1)
                def _():
                    wait_out(nslot)

                fire_gather(nslot)

            wait_gather(slot)
            fire_out(slot, g)

    wait_out(0)
    wait_out(1)


def _transpose_body(wt_ref, out_ref):
    xt = jnp.transpose(wt_ref[...])
    hb = TR_BK // 2
    out_ref[...] = jnp.concatenate([xt[0:hb], xt[hb:TR_BK]], axis=1)


def _relayout_body(rows_ref, out_ref):
    x = rows_ref[...]
    xt = jnp.transpose(x)
    out_ref[0, :, 0:8192] = xt[0:64, :]
    out_ref[0, :, 8192:16384] = xt[64:128, :]


def kernel(token_ids, weight):
    b, t = token_ids.shape
    n = b * t
    assert n % (NUM_WORKERS * CHUNK) == 0
    per_w = n // NUM_WORKERS
    n_chunks = per_w // CHUNK
    assert n_chunks % 2 == 0

    half = b // 2
    tid_t = token_ids.T.astype(jnp.int32)
    idx_flat = tid_t.reshape(t, 2, half).transpose(0, 2, 1).reshape(n)
    hb = TR_BK // 2
    l = idx_flat % TR_BK
    idx_flat = (idx_flat - l) + 2 * (l % hb) + l // hb

    v, d = weight.shape
    wt = weight.T
    n_cb = pl.cdiv(v, TR_BK)
    table2 = pl.pallas_call(
        _transpose_body,
        grid=(n_cb,),
        in_specs=[pl.BlockSpec((d, TR_BK), lambda i: (0, i))],
        out_specs=pl.BlockSpec((hb, 2 * EMB_DIM), lambda i: (i, 0)),
        out_shape=jax.ShapeDtypeStruct((n_cb * hb, 2 * EMB_DIM), jnp.float32),
    )(wt)

    mesh = plsc.VectorSubcoreMesh(
        core_axis_name="c", subcore_axis_name="s",
        num_cores=NUM_CORES, num_subcores=NUM_SUBCORES,
    )
    emb = pl.kernel(
        functools.partial(_emb_body, per_w=per_w, n_chunks=n_chunks),
        out_type=jax.ShapeDtypeStruct((n, EMB_DIM), jnp.float32),
        mesh=mesh,
        scratch_types=[
            pltpu.VMEM((2, CHUNK), jnp.int32),
            pltpu.VMEM((2, CHUNK, EMB_DIM), jnp.float32),
            pltpu.SemaphoreType.DMA,
            pltpu.SemaphoreType.DMA,
            pltpu.SemaphoreType.DMA,
            pltpu.SemaphoreType.DMA,
        ],
        compiler_params=pltpu.CompilerParams(use_tc_tiling_on_sc=False),
    )
    table_lin = table2.reshape(n_cb * TR_BK, d)

    rows = emb(idx_flat, table_lin)
    rows128 = rows.reshape(n // 2, 2 * EMB_DIM)

    out3 = pl.pallas_call(
        _relayout_body,
        grid=(t,),
        in_specs=[pl.BlockSpec((half, 2 * EMB_DIM), lambda i: (i, 0))],
        out_specs=pl.BlockSpec((1, EMB_DIM, b), lambda i: (i, 0, 0)),
        out_shape=jax.ShapeDtypeStruct((t, EMB_DIM, b), jnp.float32),
    )(rows128)

    return jnp.transpose(out3, (2, 0, 1))

# --- scband reference (transcript-rebuilt; emitter-appended) ---
"""Pipeline reference for scband-embedding-48979807043780 (READ-ONLY COPY).

The authoritative reference and input builder live on the scoring server;
editing this copy changes nothing except your own understanding.
"""

import jax, jax.numpy as jnp
import numpy as np

NUM_EMBEDDINGS = 1000000
EMBEDDING_DIM = 64


def setup_inputs(seed: int = 0) -> dict:
    key = jax.random.key(seed)
    k_idx, k_w = jax.random.split(key)
    token_ids = jax.random.randint(k_idx, (16384, 50), 0, NUM_EMBEDDINGS, dtype=jnp.int64 if jax.config.jax_enable_x64 else jnp.int32)
    # truncated normal init: mean 0, std 1, truncated to [-3, 3]
    weight = jax.random.truncated_normal(k_w, -3.0, 3.0, (NUM_EMBEDDINGS, EMBEDDING_DIM), dtype=jnp.float32)
    return {"token_ids": token_ids, "weight": weight}


def reference(token_ids, weight):
    token_ids = token_ids.astype(jnp.int32)
    return jnp.take(weight, token_ids, axis=0)

if __name__ == "__main__":
    import jax
    _d = setup_inputs()
    print(jax.jit(kernel)(*tuple(_d.values())))

</pallas_src>

<mosaic_0001>
#map = affine_map<(d0, d1) -> (0)>
#map1 = affine_map<(d0, d1) -> (0, 0)>
module attributes {stable_mosaic.version = 14 : i64} {
  func.func @_emb_body(%arg0: i32, %arg1: i32, %arg2: memref<819200xi32, #tpu.memory_space<hbm>>, %arg3: memref<1007616x64xf32, #tpu.memory_space<hbm>>, %arg4: memref<819200x64xf32, #tpu.memory_space<hbm>>, %arg5: memref<2x512xi32, #tpu.memory_space<vmem>>, %arg6: memref<2x512x64xf32, #tpu.memory_space<vmem>>, %arg7: memref<!tpu.dma_semaphore, #tpu.memory_space<semaphore_mem>>, %arg8: memref<!tpu.dma_semaphore, #tpu.memory_space<semaphore_mem>>, %arg9: memref<!tpu.dma_semaphore, #tpu.memory_space<semaphore_mem>>, %arg10: memref<!tpu.dma_semaphore, #tpu.memory_space<semaphore_mem>>) attributes {dimension_semantics = [#tpu.dimension_semantics<core_parallel>, #tpu.dimension_semantics<subcore_parallel>], iteration_bounds = array<i64: 2, 16>, scalar_prefetch = 0 : i64, scratch_operands = 6 : i64, tpu.core_type = #tpu.core_type<sc_vector_subcore>, window_params = [{transform_indices = #map}, {transform_indices = #map1}, {transform_indices = #map1}]} {
    %mul3A = arith.constant 2 : i32
    %mul3A_0 = arith.muli %arg1, %mul3A : i32
    %add3A = arith.addi %mul3A_0, %arg0 : i32
    %mul3A_1 = arith.constant 25600 : i32
    %mul3A_2 = arith.muli %add3A, %mul3A_1 : i32
    %add3A_3 = arith.constant 0 : i32
    %add3A_4 = arith.addi %mul3A_2, %add3A_3 : i32
    %run_scoped3A = arith.constant 0 : i32
    "tpu.region"() ({
      %run_scoped3A_45 = tpu.sem_alloc : memref<!tpu.dma_semaphore, #tpu.memory_space<semaphore_mem>>
      %dma_start3A_46 = arith.constant 0 : i32
      %dma_start3A_47 = tpu.memref_slice %arg5[%run_scoped3A, %dma_start3A_46] : memref<2x512xi32, #tpu.memory_space<vmem>> -> memref<1x512xi32, #tpu.memory_space<vmem>>
      %dma_start3A_48 = tpu.memref_squeeze %dma_start3A_47 : memref<1x512xi32, #tpu.memory_space<vmem>> -> memref<512xi32, #tpu.memory_space<vmem>>
      %dma_start3A_49 = tpu.memref_slice %arg2[%add3A_4] : memref<819200xi32, #tpu.memory_space<hbm>> -> memref<512xi32, #tpu.memory_space<hbm>>
      %dma_start3A_50 = arith.constant 0 : i32
      %dma_start3A_51 = tpu.memref_slice %arg5[%run_scoped3A, %dma_start3A_50] : memref<2x512xi32, #tpu.memory_space<vmem>> -> memref<1x512xi32, #tpu.memory_space<vmem>>
      %dma_start3A_52 = tpu.memref_squeeze %dma_start3A_51 : memref<1x512xi32, #tpu.memory_space<vmem>> -> memref<512xi32, #tpu.memory_space<vmem>>
      %dma_start3A_53 = tpu.memref_slice %arg2[%add3A_4] : memref<819200xi32, #tpu.memory_space<hbm>> -> memref<512xi32, #tpu.memory_space<hbm>>
      tpu.enqueue_dma source(%dma_start3A_53 : memref<512xi32, #tpu.memory_space<hbm>>) target(%dma_start3A_52 : memref<512xi32, #tpu.memory_space<vmem>>) target_semaphore(%run_scoped3A_45 : memref<!tpu.dma_semaphore, #tpu.memory_space<semaphore_mem>>)
      %dma_wait3A_54 = arith.constant 0 : i32
      %dma_wait3A_55 = tpu.memref_slice %arg5[%run_scoped3A, %dma_wait3A_54] : memref<2x512xi32, #tpu.memory_space<vmem>> -> memref<1x512xi32, #tpu.memory_space<vmem>>
      %dma_wait3A_56 = tpu.memref_squeeze %dma_wait3A_55 : memref<1x512xi32, #tpu.memory_space<vmem>> -> memref<512xi32, #tpu.memory_space<vmem>>
      %dma_wait3A_57 = tpu.memref_slice %arg2[%add3A_4] : memref<819200xi32, #tpu.memory_space<hbm>> -> memref<512xi32, #tpu.memory_space<hbm>>
      %dma_wait3A_58 = arith.constant 0 : i32
      %dma_wait3A_59 = tpu.memref_slice %arg5[%run_scoped3A, %dma_wait3A_58] : memref<2x512xi32, #tpu.memory_space<vmem>> -> memref<1x512xi32, #tpu.memory_space<vmem>>
      %dma_wait3A_60 = tpu.memref_squeeze %dma_wait3A_59 : memref<1x512xi32, #tpu.memory_space<vmem>> -> memref<512xi32, #tpu.memory_space<vmem>>
      %dma_wait3A_61 = tpu.memref_slice %arg2[%add3A_4] : memref<819200xi32, #tpu.memory_space<hbm>> -> memref<512xi32, #tpu.memory_space<hbm>>
      tpu.wait_dma2 semaphore(%run_scoped3A_45 : memref<!tpu.dma_semaphore, #tpu.memory_space<semaphore_mem>>) src(%dma_wait3A_61 : memref<512xi32, #tpu.memory_space<hbm>>) dst(%dma_wait3A_60 : memref<512xi32, #tpu.memory_space<vmem>>)
      tpu.yield
    }) : () -> ()
    %dma_start3A = arith.constant 0 : i32
    %dma_start3A_5 = arith.constant 0 : i32
    %dma_start3A_6 = arith.constant 0 : i32
    %dma_start3A_7 = arith.constant 0 : i32
    %dma_start3A_8 = tpu.memref_slice %arg6[%dma_start3A_5, %dma_start3A_6, %dma_start3A_7] : memref<2x512x64xf32, #tpu.memory_space<vmem>> -> memref<1x512x64xf32, #tpu.memory_space<vmem>>
    %dma_start3A_9 = tpu.memref_squeeze %dma_start3A_8 : memref<1x512x64xf32, #tpu.memory_space<vmem>> -> memref<512x64xf32, #tpu.memory_space<vmem>>
    %dma_start3A_10 = arith.constant 0 : i32
    %dma_start3A_11 = tpu.memref_slice %arg5[%dma_start3A, %dma_start3A_10] : memref<2x512xi32, #tpu.memory_space<vmem>> -> memref<1x512xi32, #tpu.memory_space<vmem>>
    %dma_start3A_12 = tpu.memref_squeeze %dma_start3A_11 : memref<1x512xi32, #tpu.memory_space<vmem>> -> memref<512xi32, #tpu.memory_space<vmem>>
    %dma_start3A_13 = arith.constant 0 : i32
    %dma_start3A_14 = arith.constant 0 : i32
    %dma_start3A_15 = tpu.memref_slice %arg3[%dma_start3A_13, %dma_start3A_14] : memref<1007616x64xf32, #tpu.memory_space<hbm>> -> memref<1007616x64xf32, #tpu.memory_space<hbm>>
    tpu.enqueue_indirect_dma source(%dma_start3A_15 : memref<1007616x64xf32, #tpu.memory_space<hbm>>) target(%dma_start3A_9 : memref<512x64xf32, #tpu.memory_space<vmem>>) offsets(%dma_start3A_12 : memref<512xi32, #tpu.memory_space<vmem>>) semaphore(%arg7 : memref<!tpu.dma_semaphore, #tpu.memory_space<semaphore_mem>>)
    %scan3A = arith.constant 0 : i32
    %scan3A_16 = arith.constant 25 : i32
    %scan3A_17 = arith.addi %scan3A, %scan3A_16 : i32
    %scan3A_18 = arith.constant 1 : i32
    scf.for %scan3A_45 = %scan3A to %scan3A_17 step %scan3A_18  : i32 {
      %mul3A_46 = arith.constant 2 : i32
      %mul3A_47 = arith.muli %scan3A_45, %mul3A_46 : i32
      %add3A_48 = arith.constant 0 : i32
      %add3A_49 = arith.addi %add3A_48, %mul3A_47 : i32
      %add3A_50 = arith.constant 0 : i32
      %add3A_51 = arith.addi %add3A_49, %add3A_50 : i32
      %add3A_52 = arith.constant 1 : i32
      %add3A_53 = arith.addi %add3A_51, %add3A_52 : i32
      %lt3A = arith.constant 50 : i32
      %lt3A_54 = arith.cmpi slt, %add3A_53, %lt3A : i32
      %convert_element_type3A = arith.extui %lt3A_54 : i1 to i32
      %cond3A = arith.constant 0 : i32
      %cond3A_55 = arith.cmpi ne, %convert_element_type3A, %cond3A : i32
      scf.if %cond3A_55 {
        %add3A_121 = arith.constant 1 : i32
        %add3A_122 = arith.addi %add3A_51, %add3A_121 : i32
        %mul3A_123 = arith.constant 512 : i32
        %mul3A_124 = arith.muli %add3A_122, %mul3A_123 : i32
        %add3A_125 = arith.addi %mul3A_2, %mul3A_124 : i32
        %run_scoped3A_126 = arith.constant 1 : i32
        "tpu.region"() ({
          %run_scoped3A_143 = tpu.sem_alloc : memref<!tpu.dma_semaphore, #tpu.memory_space<semaphore_mem>>
          %dma_start3A_144 = arith.constant 0 : i32
          %dma_start3A_145 = tpu.memref_slice %arg5[%run_scoped3A_126, %dma_start3A_144] : memref<2x512xi32, #tpu.memory_space<vmem>> -> memref<1x512xi32, #tpu.memory_space<vmem>>
          %dma_start3A_146 = tpu.memref_squeeze %dma_start3A_145 : memref<1x512xi32, #tpu.memory_space<vmem>> -> memref<512xi32, #tpu.memory_space<vmem>>
          %dma_start3A_147 = tpu.memref_slice %arg2[%add3A_125] : memref<819200xi32, #tpu.memory_space<hbm>> -> memref<512xi32, #tpu.memory_space<hbm>>
          %dma_start3A_148 = arith.constant 0 : i32
          %dma_start3A_149 = tpu.memref_slice %arg5[%run_scoped3A_126, %dma_start3A_148] : memref<2x512xi32, #tpu.memory_space<vmem>> -> memref<1x512xi32, #tpu.memory_space<vmem>>
          %dma_start3A_150 = tpu.memref_squeeze %dma_start3A_149 : memref<1x512xi32, #tpu.memory_space<vmem>> -> memref<512xi32, #tpu.memory_space<vmem>>
          %dma_start3A_151 = tpu.memref_slice %arg2[%add3A_125] : memref<819200xi32, #tpu.memory_space<hbm>> -> memref<512xi32, #tpu.memory_space<hbm>>
          tpu.enqueue_dma source(%dma_start3A_151 : memref<512xi32, #tpu.memory_space<hbm>>) target(%dma_start3A_150 : memref<512xi32, #tpu.memory_space<vmem>>) target_semaphore(%run_scoped3A_143 : memref<!tpu.dma_semaphore, #tpu.memory_space<semaphore_mem>>)
          %dma_wait3A_152 = arith.constant 0 : i32
          %dma_wait3A_153 = tpu.memref_slice %arg5[%run_scoped3A_126, %dma_wait3A_152] : memref<2x512xi32, #tpu.memory_space<vmem>> -> memref<1x512xi32, #tpu.memory_space<vmem>>
          %dma_wait3A_154 = tpu.memref_squeeze %dma_wait3A_153 : memref<1x512xi32, #tpu.memory_space<vmem>> -> memref<512xi32, #tpu.memory_space<vmem>>
          %dma_wait3A_155 = tpu.memref_slice %arg2[%add3A_125] : memref<819200xi32, #tpu.memory_space<hbm>> -> memref<512xi32, #tpu.memory_space<hbm>>
          %dma_wait3A_156 = arith.constant 0 : i32
          %dma_wait3A_157 = tpu.memref_slice %arg5[%run_scoped3A_126, %dma_wait3A_156] : memref<2x512xi32, #tpu.memory_space<vmem>> -> memref<1x512xi32, #tpu.memory_space<vmem>>
          %dma_wait3A_158 = tpu.memref_squeeze %dma_wait3A_157 : memref<1x512xi32, #tpu.memory_space<vmem>> -> memref<512xi32, #tpu.memory_space<vmem>>
          %dma_wait3A_159 = tpu.memref_slice %arg2[%add3A_125] : memref<819200xi32, #tpu.memory_space<hbm>> -> memref<512xi32, #tpu.memory_space<hbm>>
          tpu.wait_dma2 semaphore(%run_scoped3A_143 : memref<!tpu.dma_semaphore, #tpu.memory_space<semaphore_mem>>) src(%dma_wait3A_159 : memref<512xi32, #tpu.memory_space<hbm>>) dst(%dma_wait3A_158 : memref<512xi32, #tpu.memory_space<vmem>>)
          tpu.yield
        }) : () -> ()
        %ge3A = arith.constant 1 : i32
        %ge3A_127 = arith.cmpi sge, %add3A_51, %ge3A : i32
        %convert_element_type3A_128 = arith.extui %ge3A_127 : i1 to i32
        %cond3A_129 = arith.constant 0 : i32
        %cond3A_130 = arith.cmpi ne, %convert_element_type3A_128, %cond3A_129 : i32
        scf.if %cond3A_130 {
          %dma_wait3A_143 = arith.constant 1 : i32
          %dma_wait3A_144 = arith.constant 0 : i32
          %dma_wait3A_145 = arith.constant 0 : i32
          %dma_wait3A_146 = tpu.memref_slice %arg6[%dma_wait3A_143, %dma_wait3A_144, %dma_wait3A_145] : memref<2x512x64xf32, #tpu.memory_space<vmem>> -> memref<1x512x64xf32, #tpu.memory_space<vmem>>
          %dma_wait3A_147 = tpu.memref_squeeze %dma_wait3A_146 : memref<1x512x64xf32, #tpu.memory_space<vmem>> -> memref<512x64xf32, #tpu.memory_space<vmem>>
          %dma_wait3A_148 = arith.constant 0 : i32
          %dma_wait3A_149 = tpu.memref_slice %arg4[%mul3A_2, %dma_wait3A_148] : memref<819200x64xf32, #tpu.memory_space<hbm>> -> memref<512x64xf32, #tpu.memory_space<hbm>>
          %dma_wait3A_150 = arith.constant 0 : i32
          %dma_wait3A_151 = tpu.memref_slice %arg4[%mul3A_2, %dma_wait3A_150] : memref<819200x64xf32, #tpu.memory_space<hbm>> -> memref<512x64xf32, #tpu.memory_space<hbm>>
          %dma_wait3A_152 = arith.constant 0 : i32
          %dma_wait3A_153 = arith.constant 0 : i32
          %dma_wait3A_154 = tpu.memref_slice %arg6[%dma_wait3A_143, %dma_wait3A_152, %dma_wait3A_153] : memref<2x512x64xf32, #tpu.memory_space<vmem>> -> memref<1x512x64xf32, #tpu.memory_space<vmem>>
          %dma_wait3A_155 = tpu.memref_squeeze %dma_wait3A_154 : memref<1x512x64xf32, #tpu.memory_space<vmem>> -> memref<512x64xf32, #tpu.memory_space<vmem>>
          tpu.wait_dma2 semaphore(%arg10 : memref<!tpu.dma_semaphore, #tpu.memory_space<semaphore_mem>>) src(%dma_wait3A_155 : memref<512x64xf32, #tpu.memory_space<vmem>>) dst(%dma_wait3A_151 : memref<512x64xf32, #tpu.memory_space<hbm>>)
        } else {
        }
        %dma_start3A_131 = arith.constant 1 : i32
        %dma_start3A_132 = arith.constant 1 : i32
        %dma_start3A_133 = arith.constant 0 : i32
        %dma_start3A_134 = arith.constant 0 : i32
        %dma_start3A_135 = tpu.memref_slice %arg6[%dma_start3A_132, %dma_start3A_133, %dma_start3A_134] : memref<2x512x64xf32, #tpu.memory_space<vmem>> -> memref<1x512x64xf32, #tpu.memory_space<vmem>>
        %dma_start3A_136 = tpu.memref_squeeze %dma_start3A_135 : memref<1x512x64xf32, #tpu.memory_space<vmem>> -> memref<512x64xf32, #tpu.memory_space<vmem>>
        %dma_start3A_137 = arith.constant 0 : i32
        %dma_start3A_138 = tpu.memref_slice %arg5[%dma_start3A_131, %dma_start3A_137] : memref<2x512xi32, #tpu.memory_space<vmem>> -> memref<1x512xi32, #tpu.memory_space<vmem>>
        %dma_start3A_139 = tpu.memref_squeeze %dma_start3A_138 : memref<1x512xi32, #tpu.memory_space<vmem>> -> memref<512xi32, #tpu.memory_space<vmem>>
        %dma_start3A_140 = arith.constant 0 : i32
        %dma_start3A_141 = arith.constant 0 : i32
        %dma_start3A_142 = tpu.memref_slice %arg3[%dma_start3A_140, %dma_start3A_141] : memref<1007616x64xf32, #tpu.memory_space<hbm>> -> memref<1007616x64xf32, #tpu.memory_space<hbm>>
        tpu.enqueue_indirect_dma source(%dma_start3A_142 : memref<1007616x64xf32, #tpu.memory_space<hbm>>) target(%dma_start3A_136 : memref<512x64xf32, #tpu.memory_space<vmem>>) offsets(%dma_start3A_139 : memref<512xi32, #tpu.memory_space<vmem>>) semaphore(%arg8 : memref<!tpu.dma_semaphore, #tpu.memory_space<semaphore_mem>>)
      } else {
      }
      %dma_wait3A_56 = arith.constant 0 : i32
      %dma_wait3A_57 = arith.constant 0 : i32
      %dma_wait3A_58 = arith.constant 0 : i32
      %dma_wait3A_59 = arith.constant 0 : i32
      %dma_wait3A_60 = tpu.memref_slice %arg6[%dma_wait3A_57, %dma_wait3A_58, %dma_wait3A_59] : memref<2x512x64xf32, #tpu.memory_space<vmem>> -> memref<1x512x64xf32, #tpu.memory_space<vmem>>
      %dma_wait3A_61 = tpu.memref_squeeze %dma_wait3A_60 : memref<1x512x64xf32, #tpu.memory_space<vmem>> -> memref<512x64xf32, #tpu.memory_space<vmem>>
      %dma_wait3A_62 = arith.constant 0 : i32
      %dma_wait3A_63 = tpu.memref_slice %arg5[%dma_wait3A_56, %dma_wait3A_62] : memref<2x512xi32, #tpu.memory_space<vmem>> -> memref<1x512xi32, #tpu.memory_space<vmem>>
      %dma_wait3A_64 = tpu.memref_squeeze %dma_wait3A_63 : memref<1x512xi32, #tpu.memory_space<vmem>> -> memref<512xi32, #tpu.memory_space<vmem>>
      %dma_wait3A_65 = arith.constant 0 : i32
      %dma_wait3A_66 = arith.constant 0 : i32
      %dma_wait3A_67 = tpu.memref_slice %arg3[%dma_wait3A_65, %dma_wait3A_66] : memref<1007616x64xf32, #tpu.memory_space<hbm>> -> memref<1007616x64xf32, #tpu.memory_space<hbm>>
      tpu.wait_indirect_dma semaphore(%arg7 : memref<!tpu.dma_semaphore, #tpu.memory_space<semaphore_mem>>) src(%dma_wait3A_67 : memref<1007616x64xf32, #tpu.memory_space<hbm>>) dst(%dma_wait3A_61 : memref<512x64xf32, #tpu.memory_space<vmem>>)
      %mul3A_68 = arith.constant 512 : i32
      %mul3A_69 = arith.muli %add3A_51, %mul3A_68 : i32
      %add3A_70 = arith.addi %mul3A_2, %mul3A_69 : i32
      %dma_start3A_71 = arith.constant 0 : i32
      %dma_start3A_72 = arith.constant 0 : i32
      %dma_start3A_73 = arith.constant 0 : i32
      %dma_start3A_74 = tpu.memref_slice %arg6[%dma_start3A_71, %dma_start3A_72, %dma_start3A_73] : memref<2x512x64xf32, #tpu.memory_space<vmem>> -> memref<1x512x64xf32, #tpu.memory_space<vmem>>
      %dma_start3A_75 = tpu.memref_squeeze %dma_start3A_74 : memref<1x512x64xf32, #tpu.memory_space<vmem>> -> memref<512x64xf32, #tpu.memory_space<vmem>>
      %dma_start3A_76 = arith.constant 0 : i32
      %dma_start3A_77 = tpu.memref_slice %arg4[%add3A_70, %dma_start3A_76] : memref<819200x64xf32, #tpu.memory_space<hbm>> -> memref<512x64xf32, #tpu.memory_space<hbm>>
      %dma_start3A_78 = arith.constant 0 : i32
      %dma_start3A_79 = tpu.memref_slice %arg4[%add3A_70, %dma_start3A_78] : memref<819200x64xf32, #tpu.memory_space<hbm>> -> memref<512x64xf32, #tpu.memory_space<hbm>>
      %dma_start3A_80 = arith.constant 0 : i32
      %dma_start3A_81 = arith.constant 0 : i32
      %dma_start3A_82 = tpu.memref_slice %arg6[%dma_start3A_71, %dma_start3A_80, %dma_start3A_81] : memref<2x512x64xf32, #tpu.memory_space<vmem>> -> memref<1x512x64xf32, #tpu.memory_space<vmem>>
      %dma_start3A_83 = tpu.memref_squeeze %dma_start3A_82 : memref<1x512x64xf32, #tpu.memory_space<vmem>> -> memref<512x64xf32, #tpu.memory_space<vmem>>
      tpu.enqueue_dma source(%dma_start3A_83 : memref<512x64xf32, #tpu.memory_space<vmem>>) target(%dma_start3A_79 : memref<512x64xf32, #tpu.memory_space<hbm>>) target_semaphore(%arg9 : memref<!tpu.dma_semaphore, #tpu.memory_space<semaphore_mem>>)
      %add3A_84 = arith.constant 1 : i32
      %add3A_85 = arith.addi %add3A_49, %add3A_84 : i32
      %add3A_86 = arith.constant 1 : i32
      %add3A_87 = arith.addi %add3A_85, %add3A_86 : i32
      %lt3A_88 = arith.constant 50 : i32
      %lt3A_89 = arith.cmpi slt, %add3A_87, %lt3A_88 : i32
      %convert_element_type3A_90 = arith.extui %lt3A_89 : i1 to i32
      %cond3A_91 = arith.constant 0 : i32
      %cond3A_92 = arith.cmpi ne, %convert_element_type3A_90, %cond3A_91 : i32
      scf.if %cond3A_92 {
        %add3A_121 = arith.constant 1 : i32
        %add3A_122 = arith.addi %add3A_85, %add3A_121 : i32
        %mul3A_123 = arith.constant 512 : i32
        %mul3A_124 = arith.muli %add3A_122, %mul3A_123 : i32
        %add3A_125 = arith.addi %mul3A_2, %mul3A_124 : i32
        %run_scoped3A_126 = arith.constant 0 : i32
        "tpu.region"() ({
          %run_scoped3A_143 = tpu.sem_alloc : memref<!tpu.dma_semaphore, #tpu.memory_space<semaphore_mem>>
          %dma_start3A_144 = arith.constant 0 : i32
          %dma_start3A_145 = tpu.memref_slice %arg5[%run_scoped3A_126, %dma_start3A_144] : memref<2x512xi32, #tpu.memory_space<vmem>> -> memref<1x512xi32, #tpu.memory_space<vmem>>
          %dma_start3A_146 = tpu.memref_squeeze %dma_start3A_145 : memref<1x512xi32, #tpu.memory_space<vmem>> -> memref<512xi32, #tpu.memory_space<vmem>>
          %dma_start3A_147 = tpu.memref_slice %arg2[%add3A_125] : memref<819200xi32, #tpu.memory_space<hbm>> -> memref<512xi32, #tpu.memory_space<hbm>>
          %dma_start3A_148 = arith.constant 0 : i32
          %dma_start3A_149 = tpu.memref_slice %arg5[%run_scoped3A_126, %dma_start3A_148] : memref<2x512xi32, #tpu.memory_space<vmem>> -> memref<1x512xi32, #tpu.memory_space<vmem>>
          %dma_start3A_150 = tpu.memref_squeeze %dma_start3A_149 : memref<1x512xi32, #tpu.memory_space<vmem>> -> memref<512xi32, #tpu.memory_space<vmem>>
          %dma_start3A_151 = tpu.memref_slice %arg2[%add3A_125] : memref<819200xi32, #tpu.memory_space<hbm>> -> memref<512xi32, #tpu.memory_space<hbm>>
          tpu.enqueue_dma source(%dma_start3A_151 : memref<512xi32, #tpu.memory_space<hbm>>) target(%dma_start3A_150 : memref<512xi32, #tpu.memory_space<vmem>>) target_semaphore(%run_scoped3A_143 : memref<!tpu.dma_semaphore, #tpu.memory_space<semaphore_mem>>)
          %dma_wait3A_152 = arith.constant 0 : i32
          %dma_wait3A_153 = tpu.memref_slice %arg5[%run_scoped3A_126, %dma_wait3A_152] : memref<2x512xi32, #tpu.memory_space<vmem>> -> memref<1x512xi32, #tpu.memory_space<vmem>>
          %dma_wait3A_154 = tpu.memref_squeeze %dma_wait3A_153 : memref<1x512xi32, #tpu.memory_space<vmem>> -> memref<512xi32, #tpu.memory_space<vmem>>
          %dma_wait3A_155 = tpu.memref_slice %arg2[%add3A_125] : memref<819200xi32, #tpu.memory_space<hbm>> -> memref<512xi32, #tpu.memory_space<hbm>>
          %dma_wait3A_156 = arith.constant 0 : i32
          %dma_wait3A_157 = tpu.memref_slice %arg5[%run_scoped3A_126, %dma_wait3A_156] : memref<2x512xi32, #tpu.memory_space<vmem>> -> memref<1x512xi32, #tpu.memory_space<vmem>>
          %dma_wait3A_158 = tpu.memref_squeeze %dma_wait3A_157 : memref<1x512xi32, #tpu.memory_space<vmem>> -> memref<512xi32, #tpu.memory_space<vmem>>
          %dma_wait3A_159 = tpu.memref_slice %arg2[%add3A_125] : memref<819200xi32, #tpu.memory_space<hbm>> -> memref<512xi32, #tpu.memory_space<hbm>>
          tpu.wait_dma2 semaphore(%run_scoped3A_143 : memref<!tpu.dma_semaphore, #tpu.memory_space<semaphore_mem>>) src(%dma_wait3A_159 : memref<512xi32, #tpu.memory_space<hbm>>) dst(%dma_wait3A_158 : memref<512xi32, #tpu.memory_space<vmem>>)
          tpu.yield
        }) : () -> ()
        %ge3A = arith.constant 1 : i32
        %ge3A_127 = arith.cmpi sge, %add3A_85, %ge3A : i32
        %convert_element_type3A_128 = arith.extui %ge3A_127 : i1 to i32
        %cond3A_129 = arith.constant 0 : i32
        %cond3A_130 = arith.cmpi ne, %convert_element_type3A_128, %cond3A_129 : i32
        scf.if %cond3A_130 {
          %dma_wait3A_143 = arith.constant 0 : i32
          %dma_wait3A_144 = arith.constant 0 : i32
          %dma_wait3A_145 = arith.constant 0 : i32
          %dma_wait3A_146 = tpu.memref_slice %arg6[%dma_wait3A_143, %dma_wait3A_144, %dma_wait3A_145] : memref<2x512x64xf32, #tpu.memory_space<vmem>> -> memref<1x512x64xf32, #tpu.memory_space<vmem>>
          %dma_wait3A_147 = tpu.memref_squeeze %dma_wait3A_146 : memref<1x512x64xf32, #tpu.memory_space<vmem>> -> memref<512x64xf32, #tpu.memory_space<vmem>>
          %dma_wait3A_148 = arith.constant 0 : i32
          %dma_wait3A_149 = tpu.memref_slice %arg4[%mul3A_2, %dma_wait3A_148] : memref<819200x64xf32, #tpu.memory_space<hbm>> -> memref<512x64xf32, #tpu.memory_space<hbm>>
          %dma_wait3A_150 = arith.constant 0 : i32
          %dma_wait3A_151 = tpu.memref_slice %arg4[%mul3A_2, %dma_wait3A_150] : memref<819200x64xf32, #tpu.memory_space<hbm>> -> memref<512x64xf32, #tpu.memory_space<hbm>>
          %dma_wait3A_152 = arith.constant 0 : i32
          %dma_wait3A_153 = arith.constant 0 : i32
          %dma_wait3A_154 = tpu.memref_slice %arg6[%dma_wait3A_143, %dma_wait3A_152, %dma_wait3A_153] : memref<2x512x64xf32, #tpu.memory_space<vmem>> -> memref<1x512x64xf32, #tpu.memory_space<vmem>>
          %dma_wait3A_155 = tpu.memref_squeeze %dma_wait3A_154 : memref<1x512x64xf32, #tpu.memory_space<vmem>> -> memref<512x64xf32, #tpu.memory_space<vmem>>
          tpu.wait_dma2 semaphore(%arg9 : memref<!tpu.dma_semaphore, #tpu.memory_space<semaphore_mem>>) src(%dma_wait3A_155 : memref<512x64xf32, #tpu.memory_space<vmem>>) dst(%dma_wait3A_151 : memref<512x64xf32, #tpu.memory_space<hbm>>)
        } else {
        }
        %dma_start3A_131 = arith.constant 0 : i32
        %dma_start3A_132 = arith.constant 0 : i32
        %dma_start3A_133 = arith.constant 0 : i32
        %dma_start3A_134 = arith.constant 0 : i32
        %dma_start3A_135 = tpu.memref_slice %arg6[%dma_start3A_132, %dma_start3A_133, %dma_start3A_134] : memref<2x512x64xf32, #tpu.memory_space<vmem>> -> memref<1x512x64xf32, #tpu.memory_space<vmem>>
        %dma_start3A_136 = tpu.memref_squeeze %dma_start3A_135 : memref<1x512x64xf32, #tpu.memory_space<vmem>> -> memref<512x64xf32, #tpu.memory_space<vmem>>
        %dma_start3A_137 = arith.constant 0 : i32
        %dma_start3A_138 = tpu.memref_slice %arg5[%dma_start3A_131, %dma_start3A_137] : memref<2x512xi32, #tpu.memory_space<vmem>> -> memref<1x512xi32, #tpu.memory_space<vmem>>
        %dma_start3A_139 = tpu.memref_squeeze %dma_start3A_138 : memref<1x512xi32, #tpu.memory_space<vmem>> -> memref<512xi32, #tpu.memory_space<vmem>>
        %dma_start3A_140 = arith.constant 0 : i32
        %dma_start3A_141 = arith.constant 0 : i32
        %dma_start3A_142 = tpu.memref_slice %arg3[%dma_start3A_140, %dma_start3A_141] : memref<1007616x64xf32, #tpu.memory_space<hbm>> -> memref<1007616x64xf32, #tpu.memory_space<hbm>>
        tpu.enqueue_indirect_dma source(%dma_start3A_142 : memref<1007616x64xf32, #tpu.memory_space<hbm>>) target(%dma_start3A_136 : memref<512x64xf32, #tpu.memory_space<vmem>>) offsets(%dma_start3A_139 : memref<512xi32, #tpu.memory_space<vmem>>) semaphore(%arg7 : memref<!tpu.dma_semaphore, #tpu.memory_space<semaphore_mem>>)
      } else {
      }
      %dma_wait3A_93 = arith.constant 1 : i32
      %dma_wait3A_94 = arith.constant 1 : i32
      %dma_wait3A_95 = arith.constant 0 : i32
      %dma_wait3A_96 = arith.constant 0 : i32
      %dma_wait3A_97 = tpu.memref_slice %arg6[%dma_wait3A_94, %dma_wait3A_95, %dma_wait3A_96] : memref<2x512x64xf32, #tpu.memory_space<vmem>> -> memref<1x512x64xf32, #tpu.memory_space<vmem>>
      %dma_wait3A_98 = tpu.memref_squeeze %dma_wait3A_97 : memref<1x512x64xf32, #tpu.memory_space<vmem>> -> memref<512x64xf32, #tpu.memory_space<vmem>>
      %dma_wait3A_99 = arith.constant 0 : i32
      %dma_wait3A_100 = tpu.memref_slice %arg5[%dma_wait3A_93, %dma_wait3A_99] : memref<2x512xi32, #tpu.memory_space<vmem>> -> memref<1x512xi32, #tpu.memory_space<vmem>>
      %dma_wait3A_101 = tpu.memref_squeeze %dma_wait3A_100 : memref<1x512xi32, #tpu.memory_space<vmem>> -> memref<512xi32, #tpu.memory_space<vmem>>
      %dma_wait3A_102 = arith.constant 0 : i32
      %dma_wait3A_103 = arith.constant 0 : i32
      %dma_wait3A_104 = tpu.memref_slice %arg3[%dma_wait3A_102, %dma_wait3A_103] : memref<1007616x64xf32, #tpu.memory_space<hbm>> -> memref<1007616x64xf32, #tpu.memory_space<hbm>>
      tpu.wait_indirect_dma semaphore(%arg8 : memref<!tpu.dma_semaphore, #tpu.memory_space<semaphore_mem>>) src(%dma_wait3A_104 : memref<1007616x64xf32, #tpu.memory_space<hbm>>) dst(%dma_wait3A_98 : memref<512x64xf32, #tpu.memory_space<vmem>>)
      %mul3A_105 = arith.constant 512 : i32
      %mul3A_106 = arith.muli %add3A_85, %mul3A_105 : i32
      %add3A_107 = arith.addi %mul3A_2, %mul3A_106 : i32
      %dma_start3A_108 = arith.constant 1 : i32
      %dma_start3A_109 = arith.constant 0 : i32
      %dma_start3A_110 = arith.constant 0 : i32
      %dma_start3A_111 = tpu.memref_slice %arg6[%dma_start3A_108, %dma_start3A_109, %dma_start3A_110] : memref<2x512x64xf32, #tpu.memory_space<vmem>> -> memref<1x512x64xf32, #tpu.memory_space<vmem>>
      %dma_start3A_112 = tpu.memref_squeeze %dma_start3A_111 : memref<1x512x64xf32, #tpu.memory_space<vmem>> -> memref<512x64xf32, #tpu.memory_space<vmem>>
      %dma_start3A_113 = arith.constant 0 : i32
      %dma_start3A_114 = tpu.memref_slice %arg4[%add3A_107, %dma_start3A_113] : memref<819200x64xf32, #tpu.memory_space<hbm>> -> memref<512x64xf32, #tpu.memory_space<hbm>>
      %dma_start3A_115 = arith.constant 0 : i32
      %dma_start3A_116 = tpu.memref_slice %arg4[%add3A_107, %dma_start3A_115] : memref<819200x64xf32, #tpu.memory_space<hbm>> -> memref<512x64xf32, #tpu.memory_space<hbm>>
      %dma_start3A_117 = arith.constant 0 : i32
      %dma_start3A_118 = arith.constant 0 : i32
      %dma_start3A_119 = tpu.memref_slice %arg6[%dma_start3A_108, %dma_start3A_117, %dma_start3A_118] : memref<2x512x64xf32, #tpu.memory_space<vmem>> -> memref<1x512x64xf32, #tpu.memory_space<vmem>>
      %dma_start3A_120 = tpu.memref_squeeze %dma_start3A_119 : memref<1x512x64xf32, #tpu.memory_space<vmem>> -> memref<512x64xf32, #tpu.memory_space<vmem>>
      tpu.enqueue_dma source(%dma_start3A_120 : memref<512x64xf32, #tpu.memory_space<vmem>>) target(%dma_start3A_116 : memref<512x64xf32, #tpu.memory_space<hbm>>) target_semaphore(%arg10 : memref<!tpu.dma_semaphore, #tpu.memory_space<semaphore_mem>>)
    }
    %scan3A_19 = arith.constant 25 : i32
    %dma_wait3A = arith.constant 0 : i32
    %dma_wait3A_20 = arith.constant 0 : i32
    %dma_wait3A_21 = arith.constant 0 : i32
    %dma_wait3A_22 = tpu.memref_slice %arg6[%dma_wait3A, %dma_wait3A_20, %dma_wait3A_21] : memref<2x512x64xf32, #tpu.memory_space<vmem>> -> memref<1x512x64xf32, #tpu.memory_space<vmem>>
    %dma_wait3A_23 = tpu.memref_squeeze %dma_wait3A_22 : memref<1x512x64xf32, #tpu.memory_space<vmem>> -> memref<512x64xf32, #tpu.memory_space<vmem>>
    %dma_wait3A_24 = arith.constant 0 : i32
    %dma_wait3A_25 = tpu.memref_slice %arg4[%mul3A_2, %dma_wait3A_24] : memref<819200x64xf32, #tpu.memory_space<hbm>> -> memref<512x64xf32, #tpu.memory_space<hbm>>
    %dma_wait3A_26 = arith.constant 0 : i32
    %dma_wait3A_27 = tpu.memref_slice %arg4[%mul3A_2, %dma_wait3A_26] : memref<819200x64xf32, #tpu.memory_space<hbm>> -> memref<512x64xf32, #tpu.memory_space<hbm>>
    %dma_wait3A_28 = arith.constant 0 : i32
    %dma_wait3A_29 = arith.constant 0 : i32
    %dma_wait3A_30 = tpu.memref_slice %arg6[%dma_wait3A, %dma_wait3A_28, %dma_wait3A_29] : memref<2x512x64xf32, #tpu.memory_space<vmem>> -> memref<1x512x64xf32, #tpu.memory_space<vmem>>
    %dma_wait3A_31 = tpu.memref_squeeze %dma_wait3A_30 : memref<1x512x64xf32, #tpu.memory_space<vmem>> -> memref<512x64xf32, #tpu.memory_space<vmem>>
    tpu.wait_dma2 semaphore(%arg9 : memref<!tpu.dma_semaphore, #tpu.memory_space<semaphore_mem>>) src(%dma_wait3A_31 : memref<512x64xf32, #tpu.memory_space<vmem>>) dst(%dma_wait3A_27 : memref<512x64xf32, #tpu.memory_space<hbm>>)
    %dma_wait3A_32 = arith.constant 1 : i32
    %dma_wait3A_33 = arith.constant 0 : i32
    %dma_wait3A_34 = arith.constant 0 : i32
    %dma_wait3A_35 = tpu.memref_slice %arg6[%dma_wait3A_32, %dma_wait3A_33, %dma_wait3A_34] : memref<2x512x64xf32, #tpu.memory_space<vmem>> -> memref<1x512x64xf32, #tpu.memory_space<vmem>>
    %dma_wait3A_36 = tpu.memref_squeeze %dma_wait3A_35 : memref<1x512x64xf32, #tpu.memory_space<vmem>> -> memref<512x64xf32, #tpu.memory_space<vmem>>
    %dma_wait3A_37 = arith.constant 0 : i32
    %dma_wait3A_38 = tpu.memref_slice %arg4[%mul3A_2, %dma_wait3A_37] : memref<819200x64xf32, #tpu.memory_space<hbm>> -> memref<512x64xf32, #tpu.memory_space<hbm>>
    %dma_wait3A_39 = arith.constant 0 : i32
    %dma_wait3A_40 = tpu.memref_slice %arg4[%mul3A_2, %dma_wait3A_39] : memref<819200x64xf32, #tpu.memory_space<hbm>> -> memref<512x64xf32, #tpu.memory_space<hbm>>
    %dma_wait3A_41 = arith.constant 0 : i32
    %dma_wait3A_42 = arith.constant 0 : i32
    %dma_wait3A_43 = tpu.memref_slice %arg6[%dma_wait3A_32, %dma_wait3A_41, %dma_wait3A_42] : memref<2x512x64xf32, #tpu.memory_space<vmem>> -> memref<1x512x64xf32, #tpu.memory_space<vmem>>
    %dma_wait3A_44 = tpu.memref_squeeze %dma_wait3A_43 : memref<1x512x64xf32, #tpu.memory_space<vmem>> -> memref<512x64xf32, #tpu.memory_space<vmem>>
    tpu.wait_dma2 semaphore(%arg10 : memref<!tpu.dma_semaphore, #tpu.memory_space<semaphore_mem>>) src(%dma_wait3A_44 : memref<512x64xf32, #tpu.memory_space<vmem>>) dst(%dma_wait3A_40 : memref<512x64xf32, #tpu.memory_space<hbm>>)
    return
  }
}

module attributes {stable_mosaic.version = 14 : i64} {
  func.func @_transpose_body(%arg0: i32, %arg1: memref<64x8192xf32, #tpu.memory_space<vmem>>, %arg2: memref<4096x128xf32, #tpu.memory_space<vmem>>) attributes {dimension_semantics = [#tpu.dimension_semantics<arbitrary>], iteration_bounds = array<i64: 123>, scalar_prefetch = 0 : i64, scratch_operands = 0 : i64, tpu.core_type = #tpu.core_type<tc>, window_params = [{transform_indices = @transform_0, window_bounds = array<i64: 64, 8192>}, {transform_indices = @transform_1, window_bounds = array<i64: 4096, 128>}]} {
    %get3A = arith.constant 0 : index
    %get3A_0 = arith.constant 0 : index
    %get3A_1 = vector.load %arg1[%get3A, %get3A_0] : memref<64x8192xf32, #tpu.memory_space<vmem>>, vector<64x8192xf32>
    %transpose3A = tpu.transpose %get3A_1, [1, 0] : vector<64x8192xf32> -> vector<8192x64xf32>
    %slice3A = vector.extract_strided_slice %transpose3A {offsets = [0, 0], sizes = [4096, 64], strides = [1, 1]} : vector<8192x64xf32> to vector<4096x64xf32>
    %slice3A_2 = vector.extract_strided_slice %transpose3A {offsets = [4096, 0], sizes = [4096, 64], strides = [1, 1]} : vector<8192x64xf32> to vector<4096x64xf32>
    %concatenate3A = tpu.concatenate %slice3A, %slice3A_2 in 1 : vector<4096x64xf32>, vector<4096x64xf32> -> vector<4096x128xf32>
    %swap3A = arith.constant 0 : index
    %swap3A_3 = arith.constant 0 : index
    %swap3A_4 = vector.load %arg2[%swap3A, %swap3A_3] : memref<4096x128xf32, #tpu.memory_space<vmem>>, vector<4096x128xf32>
    tpu.vector_store %arg2[%swap3A, %swap3A_3], %concatenate3A {strides = array<i32>} : memref<4096x128xf32, #tpu.memory_space<vmem>>, vector<4096x128xf32>,
    return
  }
  func.func @transform_0(%arg0: i32) -> (i32, i32) {
    %c0_i32 = arith.constant 0 : i32
    %c0_i32_0 = arith.constant 0 : i32
    return %c0_i32, %arg0 : i32, i32
  }
  func.func @transform_1(%arg0: i32) -> (i32, i32) {
    %c0_i32 = arith.constant 0 : i32
    %c0_i32_0 = arith.constant 0 : i32
    return %arg0, %c0_i32 : i32, i32
  }
}

module attributes {stable_mosaic.version = 14 : i64} {
  func.func @_relayout_body(%arg0: i32, %arg1: memref<8192x128xf32, #tpu.memory_space<vmem>>, %arg2: memref<1x64x16384xf32, #tpu.memory_space<vmem>>) attributes {dimension_semantics = [#tpu.dimension_semantics<arbitrary>], iteration_bounds = array<i64: 50>, scalar_prefetch = 0 : i64, scratch_operands = 0 : i64, tpu.core_type = #tpu.core_type<tc>, window_params = [{transform_indices = @transform_0, window_bounds = array<i64: 8192, 128>}, {transform_indices = @transform_1, window_bounds = array<i64: 1, 64, 16384>}]} {
    %get3A = arith.constant 0 : index
    %get3A_0 = arith.constant 0 : index
    %get3A_1 = vector.load %arg1[%get3A, %get3A_0] : memref<8192x128xf32, #tpu.memory_space<vmem>>, vector<8192x128xf32>
    %transpose3A = tpu.transpose %get3A_1, [1, 0] : vector<8192x128xf32> -> vector<128x8192xf32>
    %slice3A = vector.extract_strided_slice %transpose3A {offsets = [0, 0], sizes = [64, 8192], strides = [1, 1]} : vector<128x8192xf32> to vector<64x8192xf32>
    %swap3A = arith.constant 0 : index
    %swap3A_2 = arith.constant 0 : index
    %swap3A_3 = arith.constant 0 : index
    %swap3A_4 = vector.load %arg2[%swap3A, %swap3A_2, %swap3A_3] : memref<1x64x16384xf32, #tpu.memory_space<vmem>>, vector<1x64x8192xf32>
    %swap3A_5 = vector.shape_cast %swap3A_4 : vector<1x64x8192xf32> to vector<64x8192xf32>
    %swap3A_6 = vector.shape_cast %slice3A : vector<64x8192xf32> to vector<1x64x8192xf32>
    tpu.vector_store %arg2[%swap3A, %swap3A_2, %swap3A_3], %swap3A_6 {strides = array<i32>} : memref<1x64x16384xf32, #tpu.memory_space<vmem>>, vector<1x64x8192xf32>,
    %slice3A_7 = vector.extract_strided_slice %transpose3A {offsets = [64, 0], sizes = [64, 8192], strides = [1, 1]} : vector<128x8192xf32> to vector<64x8192xf32>
    %swap3A_8 = arith.constant 0 : index
    %swap3A_9 = arith.constant 0 : index
    %swap3A_10 = arith.constant 8192 : index
    %swap3A_11 = vector.load %arg2[%swap3A_8, %swap3A_9, %swap3A_10] : memref<1x64x16384xf32, #tpu.memory_space<vmem>>, vector<1x64x8192xf32>
    %swap3A_12 = vector.shape_cast %swap3A_11 : vector<1x64x8192xf32> to vector<64x8192xf32>
    %swap3A_13 = vector.shape_cast %slice3A_7 : vector<64x8192xf32> to vector<1x64x8192xf32>
    tpu.vector_store %arg2[%swap3A_8, %swap3A_9, %swap3A_10], %swap3A_13 {strides = array<i32>} : memref<1x64x16384xf32, #tpu.memory_space<vmem>>, vector<1x64x8192xf32>,
    return
  }
  func.func @transform_0(%arg0: i32) -> (i32, i32) {
    %c0_i32 = arith.constant 0 : i32
    %c0_i32_0 = arith.constant 0 : i32
    return %arg0, %c0_i32 : i32, i32
  }
  func.func @transform_1(%arg0: i32) -> (i32, i32, i32) {
    %c0_i32 = arith.constant 0 : i32
    %c0_i32_0 = arith.constant 0 : i32
    %c0_i32_1 = arith.constant 0 : i32
    return %arg0, %c0_i32, %c0_i32_0 : i32, i32, i32
  }
}

</mosaic_0001>

<sc_bundles>
// kernel: kernel.5.cloned.1.call-start
scs
__scs_entry_jumppad:
0x0: {  	(pc) =	sbr.rel $0x88, $3  }
0x1: {  	(tag) =	ssettag $0x0;
	lr =	simm.s32 $0x1  }
0x2: {  	[smem:$0x3F9F] =	sst lr;
	_ =	strace $0xD0000000  }
0x3: {  	_ = 	snop  }
0x4: {  	_ = 	snop  }
0x5: {  	_ = 	snop  }
0x6: {  	_ = 	snop  }
0x7: {  	_ = 	snop  }
__scs_overlays_trampoline_lowered:
0x8: {  	[smem:$0x3FAE] =	sst s0  }
0x9: {  	[smem:$0x3FAF] =	sst s1  }
0xa: {  	[smem:$0x3FB0] =	sst s2  }
0xb: {  	[smem:$0x3FB1] =	sst s3  }
0xc: {  	[smem:$0x3FB2] =	sst s4  }
0xd: {  	[smem:$0x3FB3] =	sst s5  }
0xe: {  	[smem:$0x3FB4] =	sst s6  }
0xf: {  	[smem:$0x3FB5] =	sst s7  }
0x10: {  	[smem:$0x3FB6] =	sst s8  }
0x11: {  	[smem:$0x3FB7] =	sst s9;
	s0 =	simm.s32 @!p0 $0x0  }
0x12: {  	s1 =	sld [smem:$0x3F9D];
	s0 =	simm.s32 @p0 $0x1  }
0x13: {  	[smem:$0x3FB8] =	sst s0;
	s0 =	simm.s32 @!p1 $0x0  }
0x14: {  	s2 =	sld [smem:$0x3F9C];
	s0 =	simm.s32 @p1 $0x1  }
0x15: {  	[smem:$0x3FB9] =	sst s0;
	s0 =	simm.s32 @!p2 $0x0  }
0x16: {  	s3 =	sld [smem:$0x3FDB];
	s0 =	simm.s32 @p2 $0x1  }
0x17: {  	s4 =	simm.s32 $0x1BF5;
	[smem:$0x3FBB] =	sst s0  }
0x18: {  	s0 =	sld [smem:$0x3F9E];
	_ =	swait.ge [sflag:s4], $0x0  }
0x19: {  	s7 =	sld [smem:$0x3F9F]  }
0x1a: {  	s8 =	sadd.s32 $0xFFFFE003, lr  }
0x1b: {  	s9 =	sadd.s32 $0xFFFFFEF7, lr;
	s5 =	simm.s32 $0xFFFFFFFF;
	p2 =	slt.u32 s8, $0xFFFFF086  }
0x1c: {  	p1 =	slt.u32 s9, $0xF7A;
	s5 =	simm.s32 @!p2 $0x0  }
0x1d: {  	s5 =	simm.s32 @p1 $0x1;
	p0 =	seq.s32 s7, s2  }
0x1e: {  	s7 =	smul.u32 @!p0 $0xF7A, s2;
	p2 =	seq.s32 @!p0 s5, $0x0  }
0x1f: {  	s9 =	smul.u32 $0xF7A, s1;
	s8 =	simm.s32 @!p0 $0x1BF5;
	p2 =	por !p2, p0  }
0x20: {  	[sflag:s8] =	ssyncset.s32 @!p0 $0xFFFFF086;
	s6 =	sadd.s32 @!p0 s3, s7;
	s7 =	simm.s32 @!p0 $0x108  }
0x21: {  	s3 =	sadd.s32 s3, s9;
	s6 =	sadd.s32 @!p0 $0x88, s6;
	s7 =	simm.s32 @p2 $0x1082  }
0x22: {  	[simem:s7], [sflag:s8] =	dma.local @!p0 [hbm:s6], $0xF7A  }
0x23: {  	s9 =	sor.u32 $0xD0000000, s2;
	s6 =	simm.s32 $0x108;
	_ =	swait.ge @!p0 [sflag:s8], $0x0  }
0x24: {  	s3 =	sadd.s32 $0x88, s3;
	s6 =	simm.s32 @!p1 $0x1082;
	[sflag:s4] =	ssyncset.s32 $0xFFFFF086  }
0x25: {  	[simem:s6], [sflag:s4] =	dma.local [hbm:s3], $0xF7A  }
0x26: {  	[smem:$0x3F9F] =	sst s1;
	(tag) =	ssettag s2;
	_ =	strace s9  }
0x27: {  	s1 =	sld [smem:$0x3FAF]  }
0x28: {  	s2 =	sld [smem:$0x3FB0]  }
0x29: {  	s4 =	sld [smem:$0x3FB2]  }
0x2a: {  	p0 =	seq.s32 s5, $0x0;
	s5 =	sld [smem:$0x3FB3]  }
0x2b: {  	s6 =	sld [smem:$0x3FB4]  }
0x2c: {  	s7 =	sld [smem:$0x3FB5]  }
0x2d: {  	s3 =	simm.s32 $0x108;
	s8 =	sld [smem:$0x3FB6]  }
0x2e: {  	s3 =	simm.s32 @!p0 $0x1082;
	s9 =	sld [smem:$0x3FB7]  }
0x2f: {  	lr =	sadd.s32 s0, s3;
	s0 =	sld [smem:$0x3FAE]  }
0x30: {  	s3 =	sld [smem:$0x3FB1]  }
0x31: {  	[smem:$0x3FBA] =	sst s10  }
0x32: {  	s10 =	sld [smem:$0x3FB8];
	_ =	sdelay $0x3  }
0x33: {  	p0 =	seq.s32 s10, $0x1;
	s10 =	sld [smem:$0x3FBA];
	_ =	sdelay $0x3  }
0x34: {  	[smem:$0x3FBA] =	sst s10  }
0x35: {  	s10 =	sld [smem:$0x3FB9];
	_ =	sdelay $0x3  }
0x36: {  	p1 =	seq.s32 s10, $0x1;
	s10 =	sld [smem:$0x3FBA];
	_ =	sdelay $0x3  }
0x37: {  	[smem:$0x3FBA] =	sst s10  }
0x38: {  	s10 =	sld [smem:$0x3FBB]  }
0x39: {  	_ = 	snop;
	(pc) =	sbr.ind lr, $3  }
0x3a: {  	_ = 	snop  }
0x3b: {  	_ = 	snop  }
0x3c: {  	p2 =	seq.s32 s10, $0x1;
	s10 =	sld [smem:$0x3FBA]  }
0x3d: {  	_ =	shalt  }
0x3e: {  	_ =	shalt  }
0x3f: {  	_ =	shalt  }
0x40: {  	_ =	shalt  }
0x41: {  	_ =	shalt  }
0x42: {  	_ =	shalt  }
0x43: {  	_ =	shalt  }
0x44: {  	_ =	shalt  }
0x45: {  	_ =	shalt  }
0x46: {  	_ =	shalt  }
0x47: {  	_ =	shalt  }
0x48: {  	_ =	shalt  }
0x49: {  	_ =	shalt  }
0x4a: {  	_ =	shalt  }
0x4b: {  	_ =	shalt  }
0x4c: {  	_ =	shalt  }
0x4d: {  	_ =	shalt  }
0x4e: {  	_ =	shalt  }
0x4f: {  	_ =	shalt  }
0x50: {  	_ =	shalt  }
0x51: {  	_ =	shalt  }
0x52: {  	_ =	shalt  }
0x53: {  	_ =	shalt  }
0x54: {  	_ =	shalt  }
0x55: {  	_ =	shalt  }
0x56: {  	_ =	shalt  }
0x57: {  	_ =	shalt  }
0x58: {  	_ =	shalt  }
0x59: {  	_ =	shalt  }
0x5a: {  	_ =	shalt  }
0x5b: {  	_ =	shalt  }
0x5c: {  	_ =	shalt  }
0x5d: {  	_ =	shalt  }
0x5e: {  	_ =	shalt  }
0x5f: {  	_ =	shalt  }
0x60: {  	_ =	shalt  }
0x61: {  	_ =	shalt  }
0x62: {  	_ =	shalt  }
0x63: {  	_ =	shalt  }
0x64: {  	_ =	shalt  }
0x65: {  	_ =	shalt  }
0x66: {  	_ =	shalt  }
0x67: {  	_ =	shalt  }
0x68: {  	_ =	shalt  }
0x69: {  	_ =	shalt  }
0x6a: {  	_ =	shalt  }
0x6b: {  	_ =	shalt  }
0x6c: {  	_ =	shalt  }
0x6d: {  	_ =	shalt  }
0x6e: {  	_ =	shalt  }
0x6f: {  	_ =	shalt  }
0x70: {  	_ =	shalt  }
0x71: {  	_ =	shalt  }
0x72: {  	_ =	shalt  }
0x73: {  	_ =	shalt  }
0x74: {  	_ =	shalt  }
0x75: {  	_ =	shalt  }
0x76: {  	_ =	shalt  }
0x77: {  	_ =	shalt  }
0x78: {  	_ =	shalt  }
0x79: {  	_ =	shalt  }
0x7a: {  	_ =	shalt  }
0x7b: {  	_ =	shalt  }
0x7c: {  	_ =	shalt  }
0x7d: {  	_ =	shalt  }
0x7e: {  	_ =	shalt  }
0x7f: {  	_ =	shalt  }
0x80: {  	_ =	shalt  }
0x81: {  	_ =	shalt  }
0x82: {  	_ =	shalt  }
0x83: {  	_ =	shalt  }
0x84: {  	_ =	shalt  }
0x85: {  	_ =	shalt  }
0x86: {  	_ =	shalt  }
0x87: {  	_ =	shalt  }
.Lfunc_end0:
.L_simem_size_0:
called_computation_lowered:
.L_overlay_start_0:
0x88: {  	s2 =	sld [smem:$0x3FD9]  }
0x89: {  	s3 =	sld [smem:$0x3FFE];
	_ =	sdelay $0x1  }
0x8a: {  	s1 =	srdreg.scid  }
0x8b: {  	s0 =	sand.u32 $0x1, s1  }
0x8c: {  	s17 =	sshll.u32 s0, $0xA;
	s2 =	sadd.s32 s3, s2  }
0x8d: {  	s2 =	sadd.s32 s2, s17  }
0x8e: {  	[smem:$0x3FC6] =	sst s2  }
0x8f: {  	_ = 	snop  }
0x90: {  	s2 =	sld [smem:$0x3FD0];
	(tm) =	ssettm $0x1  }
0x91: {  	s18 =	sld [smem:$0x3FFB];
	_ =	sdelay $0x3  }
0x92: {  	_ =	strace s18  }
0x93: {  	s3 =	sld [smem:$0x3FFC];
	_ =	sdelay $0x3  }
0x94: {  	_ =	strace s3  }
0x95: {  	s3 =	sld [smem:$0x3FFD];
	_ =	sdelay $0x3  }
0x96: {  	_ =	strace s3  }
0x97: {  	_ =	strace $0x8FFFFFFF  }
0x98: {  	s19 =	sld [smem:$0x3FDB];
	_ =	sdelay $0x1  }
0x99: {  	s4 =	simm.s32 $_scs_section_size  }
0x9a: {  	s5 =	simm.s32 $_size__tile_overlayer_lowered;
	s6 =	simm.s32 $_tile_overlayer_lowered  }
0x9b: {  	s22 =	simm.s32 $0x1BFF;
	s21 =	sshll.u32 s6, $0x1;
	s3 =	sadd.s32 s4, s19  }
0x9c: {  	s7 =	simm.s32 $0x0;
	s20 =	sshll.u32 s5, $0x1;
	s5 =	sadd.s32 s21, s3  }
0x9d: {  	[timem:s7], [sflag:s22] =	dma.local [hbm:s5], s20  }
0x9e: {  	_ =	swait.ge [sflag:s22], s20  }
0x9f: {  	s4 =	ssub.s32 $0x0, s20;
	[sflag:s22] =	ssyncset.done $0x0  }
0xa0: {  	[sflag:s22] =	ssyncadd.s32 s4;
	_ =	sdelay $0x1  }
0xa1: {  	s23 =	simm.s32 $0x1B8B  }
0xa2: {  	_ =	swait.ge [sflag:s23], $0x1  }
0xa3: {  	[sflag:s23] =	ssyncset.done $0x0  }
0xa4: {  	s25 =	simm.s32 $0x1B8E;
	s24 =	sld [smem:$0x3FFE];
	[sflag:s23] =	ssyncadd.s32 $0xFFFFFFFF  }
0xa5: {  	s26 =	simm.s32 $execute0_lowered;
	[smem:$0x3FD2] =	sst s25  }
0xa6: {  	s5 =	sshll.u32 s26, $0x1;
	_ =	strace $0x80000046;
	[dreg:$0x1] =	wrdreg $0xFFFFFFFF  }
0xa7: {  	s28 =	simm.s32 $_size_execute0_lowered;
	s3 =	sadd.s32 s3, s5;
	[dreg:$0x0] =	wrdreg $0x0  }
0xa8: {  	s5 =	sshll.u32 s28, $0x1;
	[dreg:$0x2] =	wrdreg s3  }
0xa9: {  	[dreg:$0x3] =	wrdreg s5  }
0xaa: {  	[dreg:$0x4] =	wrdreg $0xC0  }
0xab: {  	_ =	task [dreg:s7], $0x5FFFF  }
0xac: {  	[dreg:$0x1] =	wrdreg $0xFFFFFFFF  }
0xad: {  	[dreg:$0x0] =	wrdreg $0x60  }
0xae: {  	[dreg:$0x2] =	wrdreg s2  }
0xaf: {  	[dreg:$0x3] =	wrdreg s24  }
0xb0: {  	[dreg:$0x4] =	wrdreg $0x9  }
0xb1: {  	_ =	task.clear_ibuf [dreg:s7], $0x5FFFF;
	_ =	strace $0x90000046  }
0xb2: {  	s29 =	simm.s32 $0x9;
	_ =	strace $0x80000048  }
0xb3: {  	_ =	swait.ge [sflag:s29], $0x1  }
0xb4: {  	[sflag:s29] =	ssyncadd.s32 $0xFFFFFFFF  }
0xb5: {  	_ =	strace $0x90000048  }
0xb6: {  	_ =	sfence  }
0xb7: {  	s30 =	sld [smem:$0x0];
	_ =	sdelay $0x2  }
0xb8: {  	s31 =	sshll.u32 s1, $0xD;
	s1 =	sshrl.u32 s1, $0x2  }
0xb9: {  	s3 =	sand.u32 $0x4000, s31;
	s1 =	sadd.s32 s1, s30  }
0xba: {  	s0 =	sor.u32 s3, s0;
	s1 =	sshll.u32 s1, $0x11  }
0xbb: {  	s0 =	sor.u32 s1, s0  }
0xbc: {  	s0 =	sadd.s32 $0x8F2B, s0  }
0xbd: {  	[sflag:s0] =	ssyncadd.remote.s32 $0x1  }
0xbe: {  	_ =	sfence.sel $0xFFFF  }
0xbf: {  	[dreg:$0x0] =	wrdreg $0xFFFFFFFF;
	(pc) =	sbr.abs _section_cstart, $3  }
0xc0: {  	[dreg:$0x1] =	wrdreg $0xFFFFFFFF  }
0xc1: {  	_ =	task.clear_ibuf [dreg:s7], $0x2FFFF;
	_ =	strace $0x9FFFFFFF  }
0xc2: {  	(tm) =	ssettm $0x7FFFFFFF  }
0xc3: {  	_ =	shalt  }
tec
execute0_lowered:
.L_overlay_start_1:
0x0: {  	(tag) =	ssettag $0x1  }
0x1: {  	s17 =	rddreg [dreg:$0x0]  }
0x2: {  	s4 =	rddreg [dreg:$0x1]  }
0x3: {  	s3 =	srdreg.scid;
	s0 =	stileid.u32;
	s2 =	simm.s32 $0x0  }
0x4: {  	s20 =	simm.s32 $0x400;
	s21 =	simm.s32 $0x8400;
	s22 =	simm.s32 $0x1  }
0x5: {  	s23 =	simm.s32 $0x3;
	s24 =	simm.s32 $0x2;
	s13 =	smul.u32 $0xC800, s0  }
0x6: {  	s11 =	sand.u32 $0x1, s3;
	s25 =	sshll.u32 s0, $0x1;
	s15 =	smul.u32 $0x320000, s0  }
0x7: {  	[smem:$0x7FF] =	sst s2;
	s3 =	sadd.s32 $0x400, s4;
	s14 =	smul.u32 $0x6400, s11  }
0x8: {  	s4 =	sadd.s32 $0x7B0400, s4;
	s5 =	sor.u32 s11, s25;
	s16 =	smul.u32 $0x190000, s11  }
0x9: {  	_ =	strace $0x80000047;
	s7 =	ssub.s32 $0x2, s11;
	s6 =	smul.u32 $0x6400, s5  }
0xa: {  	s25 =	simm.s32 $0x4;
	s8 =	sshrl.u32 s7, $0x1;
	s9 =	smul.u32 $0x190000, s5  }
0xb: {  	s7 =	ssub.s32 s7, s8;
	s14 =	sadd.s32 s14, s13;
	s15 =	sadd.s32 s16, s15  }
0xc: {  	s6 =	sshrl.u32 s6, $0x3;
	s26 =	sshrl.u32 s9, $0x3;
	s18 =	sadd.s32 $0x800, s14  }
0xd: {  	s29 =	sadd.s32 $0x18000, s15;
	s19 =	sadd.s32 $0x600, s14;
	s15 =	sadd.s32 $0x10000, s15  }
0xe: {  	s5 =	sadd.s32 s17, s6;
	s6 =	smax.u32 s7, $0x1;
	s8 =	sadd.s32 s4, s26  }
0xf: {  	s28 =	sshrl.u32 s18, $0x3;
	s30 =	sshrl.u32 s29, $0x3;
	s31 =	sshrl.u32 s19, $0x3  }
0x10: {  	s18 =	simm.s32 $0x5;
	s19 =	simm.s32 $0x200;
	s26 =	simm.s32 $0x0  }
0x11: {  	s7 =	sadd.s32 $0x40, s5;
	s9 =	sadd.s32 $0x80, s5;
	s10 =	sadd.s32 $0x1000, s8  }
0x12: {  	s11 =	sadd.s32 $0xC40, s5;
	s12 =	sadd.s32 $0x30000, s8;
	s13 =	sadd.s32 $0x31000, s8  }
0x13: {  	s14 =	sadd.s32 s28, s17;
	s16 =	sadd.s32 s30, s4;
	s17 =	sadd.s32 s31, s17  }
.LBB2_1:
0x14: {  	[tilespmem:s2], [sflag:$0x5] =	stream.linear.gather [hbm4b:s5+s2], $0x200, $0x38;
	[tilespmem:$0x10400] =	vst v63  }
0x15: {  	_ =	swait.ge [sflag:s18], $0x200  }
0x16: {  	[sflag:s18] =	ssyncset.done $0x0  }
0x17: {  	[sflag:s18] =	ssyncadd.s32 $0xFFFFFE00  }
0x18: {  	[tilespmem:s20], [sflag:$0x1] =	stream.indirect.gather [hbm4b:s3+s19], $0x40, s2, s19, $0xb8;
	[tilespmem:$0x10400] =	vst v63  }
0x19: {  	_ = 	snop  }
0x1a: {  	[tilespmem:s19], [sflag:$0x5] =	stream.linear.gather [hbm4b:s7+s2], $0x200, $0x38;
	[tilespmem:$0x10400] =	vst v63  }
0x1b: {  	_ =	swait.ge [sflag:s18], $0x200  }
0x1c: {  	[sflag:s18] =	ssyncset.done $0x0  }
0x1d: {  	[sflag:s18] =	ssyncadd.s32 $0xFFFFFE00  }
0x1e: {  	[tilespmem:s21], [sflag:$0x2] =	stream.indirect.gather [hbm4b:s3+s19], $0x40, s19, s19, $0xb8;
	[tilespmem:$0x10400] =	vst v63  }
0x1f: {  	_ =	swait.ge [sflag:s22], $0x8000  }
0x20: {  	[sflag:s22] =	ssyncset.done $0x0  }
0x21: {  	[sflag:s22] =	ssyncadd.s32 $0xFFFF8000  }
0x22: {  	[hbm4b:s8+s2] =	stream.linear.scatter [tilespmem:s20], [sflag:$0x3], $0x8000, $0x38;
	[tilespmem:$0x10400] =	vst v63  }
0x23: {  	_ = 	snop  }
0x24: {  	[tilespmem:s2], [sflag:$0x5] =	stream.linear.gather [hbm4b:s9+s2], $0x200, $0x38;
	[tilespmem:$0x10400] =	vst v63  }
0x25: {  	_ =	swait.ge [sflag:s18], $0x200  }
0x26: {  	[sflag:s18] =	ssyncset.done $0x0  }
0x27: {  	[sflag:s18] =	ssyncadd.s32 $0xFFFFFE00  }
0x28: {  	_ =	swait.ge [sflag:s23], $0x8000  }
0x29: {  	[sflag:s23] =	ssyncset.done $0x0  }
0x2a: {  	[sflag:s23] =	ssyncadd.s32 $0xFFFF8000  }
0x2b: {  	[tilespmem:s20], [sflag:$0x1] =	stream.indirect.gather [hbm4b:s3+s19], $0x40, s2, s19, $0xb8;
	[tilespmem:$0x10400] =	vst v63  }
0x2c: {  	_ =	swait.ge [sflag:s24], $0x8000  }
0x2d: {  	[sflag:s24] =	ssyncset.done $0x0  }
0x2e: {  	[sflag:s24] =	ssyncadd.s32 $0xFFFF8000  }
0x2f: {  	[hbm4b:s10+s2] =	stream.linear.scatter [tilespmem:s21], [sflag:$0x4], $0x8000, $0x38;
	[tilespmem:$0x10400] =	vst v63  }
0x30: {  	s28 =	sadd.s32 $0x0, s17  }
0x31: {  	[tilespmem:s19], [sflag:$0x5] =	stream.linear.gather [hbm4b:s28+s2], $0x200, $0x38;
	[tilespmem:$0x10400] =	vst v63  }
0x32: {  	_ =	swait.ge [sflag:s18], $0x200  }
0x33: {  	[sflag:s18] =	ssyncset.done $0x0  }
0x34: {  	[sflag:s18] =	ssyncadd.s32 $0xFFFFFE00  }
0x35: {  	_ =	swait.ge [sflag:s25], $0x8000  }
0x36: {  	[sflag:s25] =	ssyncset.done $0x0  }
0x37: {  	[sflag:s25] =	ssyncadd.s32 $0xFFFF8000  }
0x38: {  	[tilespmem:s21], [sflag:$0x2] =	stream.indirect.gather [hbm4b:s3+s19], $0x40, s19, s19, $0xb8;
	[tilespmem:$0x10400] =	vst v63  }
0x39: {  	_ =	swait.ge [sflag:s22], $0x8000  }
0x3a: {  	s28 =	sshrl.u32 s15, $0x3;
	[sflag:s22] =	ssyncset.done $0x0  }
0x3b: {  	s28 =	sadd.s32 s4, s28;
	[sflag:s22] =	ssyncadd.s32 $0xFFFF8000  }
0x3c: {  	[hbm4b:s28+s2] =	stream.linear.scatter [tilespmem:s20], [sflag:$0x3], $0x8000, $0x38;
	[tilespmem:$0x10400] =	vst v63  }
0x3d: {  	s28 =	sadd.s32 $0x0, s14  }
0x3e: {  	[tilespmem:s2], [sflag:$0x5] =	stream.linear.gather [hbm4b:s28+s2], $0x200, $0x38;
	[tilespmem:$0x10400] =	vst v63  }
0x3f: {  	_ =	swait.ge [sflag:s18], $0x200  }
0x40: {  	[sflag:s18] =	ssyncset.done $0x0  }
0x41: {  	[sflag:s18] =	ssyncadd.s32 $0xFFFFFE00  }
0x42: {  	_ =	swait.ge [sflag:s23], $0x8000  }
0x43: {  	[sflag:s23] =	ssyncset.done $0x0  }
0x44: {  	[sflag:s23] =	ssyncadd.s32 $0xFFFF8000  }
0x45: {  	[tilespmem:s20], [sflag:$0x1] =	stream.indirect.gather [hbm4b:s3+s19], $0x40, s2, s19, $0xb8;
	[tilespmem:$0x10400] =	vst v63  }
0x46: {  	_ =	swait.ge [sflag:s24], $0x8000  }
0x47: {  	s29 =	sadd.s32 $0x10000, s15;
	s30 =	sadd.s32 $0x2000, s16;
	[sflag:s24] =	ssyncset.done $0x0  }
0x48: {  	s31 =	smov.u32 s16;
	s28 =	simm.s32 $0x80;
	[sflag:s24] =	ssyncadd.s32 $0xFFFF8000  }
.LBB2_2:
0x49: {  	[hbm4b:s31+s2] =	stream.linear.scatter [tilespmem:s21], [sflag:$0x4], $0x8000, $0x38;
	[tilespmem:$0x10400] =	vst v63  }
0x4a: {  	s0 =	smov.u32 s28;
	s31 =	smov.u32 s30  }
0x4b: {  	p0 =	sne.s32 s28, $0xB00;
	s28 =	sadd.s32 $0x80, s28;
	s1 =	sadd.s32 s0, s17  }
0x4c: {  	[tilespmem:s19], [sflag:$0x5] =	stream.linear.gather [hbm4b:s1+s2], $0x200, $0x38;
	[tilespmem:$0x10400] =	vst v63  }
0x4d: {  	_ =	swait.ge [sflag:s18], $0x200  }
0x4e: {  	[sflag:s18] =	ssyncset.done $0x0  }
0x4f: {  	[sflag:s18] =	ssyncadd.s32 $0xFFFFFE00  }
0x50: {  	_ =	swait.ge [sflag:s25], $0x8000  }
0x51: {  	[sflag:s25] =	ssyncset.done $0x0  }
0x52: {  	[sflag:s25] =	ssyncadd.s32 $0xFFFF8000  }
0x53: {  	[tilespmem:s21], [sflag:$0x2] =	stream.indirect.gather [hbm4b:s3+s19], $0x40, s19, s19, $0xb8;
	[tilespmem:$0x10400] =	vst v63  }
0x54: {  	_ =	swait.ge [sflag:s22], $0x8000  }
0x55: {  	s1 =	sshrl.u32 s29, $0x3;
	[sflag:s22] =	ssyncset.done $0x0  }
0x56: {  	s1 =	sadd.s32 s4, s1;
	[sflag:s22] =	ssyncadd.s32 $0xFFFF8000  }
0x57: {  	[hbm4b:s1+s2] =	stream.linear.scatter [tilespmem:s20], [sflag:$0x3], $0x8000, $0x38;
	[tilespmem:$0x10400] =	vst v63  }
0x58: {  	s0 =	sadd.s32 s0, s14  }
0x59: {  	[tilespmem:s2], [sflag:$0x5] =	stream.linear.gather [hbm4b:s0+s2], $0x200, $0x38;
	[tilespmem:$0x10400] =	vst v63  }
0x5a: {  	_ =	swait.ge [sflag:s18], $0x200  }
0x5b: {  	[sflag:s18] =	ssyncset.done $0x0  }
0x5c: {  	[sflag:s18] =	ssyncadd.s32 $0xFFFFFE00  }
0x5d: {  	_ =	swait.ge [sflag:s23], $0x8000  }
0x5e: {  	[sflag:s23] =	ssyncset.done $0x0  }
.Ltmp0:
0x5f: {  	[sflag:s23] =	ssyncadd.s32 $0xFFFF8000;
	(pc) =	sbr.rel @p0 .LBB2_2-.Ltmp0, $4  }
0x60: {  	[tilespmem:s20], [sflag:$0x1] =	stream.indirect.gather [hbm4b:s3+s19], $0x40, s2, s19, $0xb8;
	[tilespmem:$0x10400] =	vst v63  }
0x61: {  	_ =	swait.ge [sflag:s24], $0x8000  }
0x62: {  	[sflag:s24] =	ssyncset.done $0x0  }
0x63: {  	s30 =	sadd.s32 $0x2000, s30;
	s29 =	sadd.s32 $0x10000, s29;
	[sflag:s24] =	ssyncadd.s32 $0xFFFF8000  }
0x64: {  	[hbm4b:s31+s2] =	stream.linear.scatter [tilespmem:s21], [sflag:$0x4], $0x8000, $0x38;
	[tilespmem:$0x10400] =	vst v63  }
0x65: {  	_ = 	snop  }
0x66: {  	[tilespmem:s19], [sflag:$0x5] =	stream.linear.gather [hbm4b:s11+s2], $0x200, $0x38;
	[tilespmem:$0x10400] =	vst v63  }
0x67: {  	_ =	swait.ge [sflag:s18], $0x200  }
0x68: {  	[sflag:s18] =	ssyncset.done $0x0  }
0x69: {  	[sflag:s18] =	ssyncadd.s32 $0xFFFFFE00  }
0x6a: {  	_ =	swait.ge [sflag:s25], $0x8000  }
0x6b: {  	[sflag:s25] =	ssyncset.done $0x0  }
0x6c: {  	[sflag:s25] =	ssyncadd.s32 $0xFFFF8000  }
0x6d: {  	[tilespmem:s21], [sflag:$0x2] =	stream.indirect.gather [hbm4b:s3+s19], $0x40, s19, s19, $0xb8;
	[tilespmem:$0x10400] =	vst v63  }
0x6e: {  	_ =	swait.ge [sflag:s22], $0x8000  }
0x6f: {  	[sflag:s22] =	ssyncset.done $0x0  }
0x70: {  	[sflag:s22] =	ssyncadd.s32 $0xFFFF8000  }
0x71: {  	[hbm4b:s12+s2] =	stream.linear.scatter [tilespmem:s20], [sflag:$0x3], $0x8000, $0x38;
	[tilespmem:$0x10400] =	vst v63  }
0x72: {  	_ =	swait.ge [sflag:s24], $0x8000  }
0x73: {  	[sflag:s24] =	ssyncset.done $0x0  }
0x74: {  	s26 =	sadd.s32 $0x1, s26;
	[sflag:s24] =	ssyncadd.s32 $0xFFFF8000  }
0x75: {  	[hbm4b:s13+s2] =	stream.linear.scatter [tilespmem:s21], [sflag:$0x4], $0x8000, $0x38;
	[tilespmem:$0x10400] =	vst v63  }
0x76: {  	p0 =	sne.s32 s26, s6;
	_ =	swait.ge [sflag:s23], $0x8000  }
.Ltmp1:
0x77: {  	[sflag:s23] =	ssyncset.done $0x0;
	(pc) =	sbr.rel @p0 .LBB2_1-.Ltmp1, $4  }
0x78: {  	[sflag:s23] =	ssyncadd.s32 $0xFFFF8000  }
0x79: {  	_ =	swait.ge [sflag:s25], $0x8000  }
0x7a: {  	[sflag:s25] =	ssyncset.done $0x0  }
0x7b: {  	[sflag:s25] =	ssyncadd.s32 $0xFFFF8000  }
0x7c: {  	_ =	sfence.sel $0x180000  }
0x7d: {  	[bflag:$0x0] =	sbarrier.arrive $0xFFFF  }
0x7e: {  	_ =	strace $0x90000047  }
0x7f: {  	s0 =	stileid.u32;
	[bflag:$0x2] =	sbarrier.arrive $0xFFFF  }
0x80: {  	p0 =	sne.s32 s0, $0x0;
	s0 =	rddreg [dreg:$0x2]  }
0x81: {  	s0 =	sadd.s32 @!p0 $0x100000, s0  }
0x82: {  	[sflag:s0] =	ssyncadd.tile.s32 @!p0 $0x1;
	_ =	shalt  }
.Lfunc_end2:
_tile_overlayer_lowered:
.L_overlay_start_2:
0x83: {  	(tag) =	ssettag $0x2  }
0x84: {  	s0 =	rddreg [dreg:$0x0];
	s2 =	stileid.u32  }
0x85: {  	s1 =	rddreg [dreg:$0x1];
	p0 =	sne.s32 s2, $0x0  }
0x86: {  	s3 =	rddreg [dreg:$0x2];
	[bflag:$0x3] =	sbarrier.arrive $0xFFFF;
	s2 =	simm.s32 @!p0 $0x1C05  }
0x87: {  	[timem:s3], [sflag:s2] =	dma.local @!p0 [hbm:s0], s1  }
0x88: {  	s0 =	simm.s32 @!p0 $0x5  }
0x89: {  	_ =	swait.ge @!p0 [sflag:s0], s1  }
0x8a: {  	s1 =	ssub.s32 @!p0 $0x0, s1;
	[sflag:s0] =	ssyncset.done @!p0 $0x0  }
0x8b: {  	[sflag:s0] =	ssyncadd.s32 @!p0 s1  }
0x8c: {  	[bflag:$0x3] =	sbarrier.arrive $0xFFFF  }
0x8d: {  	_ =	shalt  }

</sc_bundles>
